<compile_context>
chip_gen: v7x
topology: tpu7x:2x2x1
jax: 0.10.2.dev20260603
libtpu: 0.0.44.dev20260713+nightly
codegen_flags: <defaults>
</compile_context>

<pallas_src>
import functools

import jax
import jax.numpy as jnp
from jax import lax
from jax.experimental import pallas as pl
from jax.experimental.pallas import tpu as pltpu
from jax.experimental.pallas import tpu_sc as plsc

B = 16384
DD = 13
F = 26
VOCAB = 100000
E = 32

VSTRIDE = 102400
VB = 51200
NVB = VSTRIDE // VB
PROJ_N = F * VSTRIDE

NC = 2
NS = 16
NW = NC * NS
RPW = B // NW
CH = 16
NCHUNK = RPW // CH
SCALARS_C = CH * F
IDXS = 104
ROWS_PER_CHUNK = SCALARS_C // IDXS
IDX_ROWS_W = NCHUNK * ROWS_PER_CHUNK
SCALARS_W = RPW * F


def _tc_proj_body(t_ref, w_ref, o_ref):
    f = pl.program_id(0)
    o_ref[...] = jax.lax.dot_general(
        w_ref[f, :][None, :], t_ref[0, :, :],
        (((1,), (0,)), ((), ())),
        preferred_element_type=jnp.float32)[0]


def _sc_body(idx_hbm, proj_hbm, out_hbm, idx_v, vals_v, res_v, sem):
    cid = lax.axis_index("c")
    sid = lax.axis_index("s")
    wid = sid * NC + cid

    pltpu.sync_copy(idx_hbm.at[pl.ds(wid * IDX_ROWS_W, IDX_ROWS_W)], idx_v)

    def fire(j, carry):
        dst = pl.multiple_of(j * IDXS, 8)
        pltpu.async_copy(proj_hbm.at[idx_v.at[j]],
                         vals_v.at[pl.ds(dst, IDXS)], sem)
        return carry

    lax.fori_loop(0, IDX_ROWS_W, fire, 0)

    def drain(j, carry):
        pltpu.make_async_copy(
            proj_hbm.at[idx_v.at[0]], vals_v.at[pl.ds(0, IDXS)], sem).wait()
        return carry

    lax.fori_loop(0, IDX_ROWS_W, drain, 0)

    def chunk_body(c, carry):
        base = pl.multiple_of(c * SCALARS_C, 16)
        acc = jnp.zeros((16,), jnp.float32)
        for f in range(F):
            acc = acc + vals_v[pl.ds(base + f * CH, CH)]
        res_v[pl.ds(c * CH, CH)] = acc
        return carry

    lax.fori_loop(0, NCHUNK, chunk_body, 0)
    pltpu.sync_copy(res_v, out_hbm.at[pl.ds(wid * RPW, RPW)])


_sc_gather_sum = functools.partial(
    pl.kernel,
    out_type=jax.ShapeDtypeStruct((B,), jnp.float32),
    mesh=plsc.VectorSubcoreMesh(
        core_axis_name="c", subcore_axis_name="s",
        num_cores=NC, num_subcores=NS),
    compiler_params=pltpu.CompilerParams(
        needs_layout_passes=False, use_tc_tiling_on_sc=False),
    scratch_types=[
        pltpu.VMEM((IDX_ROWS_W, IDXS), jnp.int32),
        pltpu.VMEM((SCALARS_W,), jnp.float32),
        pltpu.VMEM((RPW,), jnp.float32),
        pltpu.SemaphoreType.DMA,
    ],
)(_sc_body)


def _tc_dense_body(x_ref, w_ref, b_ref, o_ref):
    o_ref[...] = jnp.sum(x_ref[...] * w_ref[...], axis=1) + b_ref[...]


def kernel(dense, cats, tables, W, b):
    tt = jnp.transpose(tables, (0, 2, 1))
    w2 = W[DD:, 0].reshape(F, E)

    proj = pl.pallas_call(
        _tc_proj_body,
        grid=(F, NVB),
        in_specs=[
            pl.BlockSpec((1, E, VB), lambda f, c: (f, 0, c)),
            pl.BlockSpec((F, E), lambda f, c: (0, 0)),
        ],
        out_specs=pl.BlockSpec((VB,), lambda f, c: (f * NVB + c,)),
        out_shape=jax.ShapeDtypeStruct((PROJ_N,), jnp.float32),
    )(tt, w2)

    idx26 = cats.T + (jnp.arange(F, dtype=jnp.int32) * VSTRIDE)[:, None]
    idxp = idx26.reshape(F, B // CH, CH).transpose(1, 0, 2)
    idxp = idxp.reshape(B // CH * ROWS_PER_CHUNK, IDXS)

    cat_part = _sc_gather_sum(idxp, proj)
    dense_part = pl.pallas_call(
        _tc_dense_body,
        out_shape=jax.ShapeDtypeStruct((B,), jnp.float32),
    )(dense, W[:DD, 0], b)

    return (cat_part + dense_part).reshape(B, 1)

# --- scband reference (transcript-rebuilt; emitter-appended) ---
"""Pipeline reference for scband-logistic-ctr-11089605558537 (READ-ONLY COPY).

The authoritative reference and input builder live on the scoring server;
editing this copy changes nothing except your own understanding.
"""

import jax, jax.numpy as jnp
import numpy as np

B = 16384
D_DENSE = 13
N_CATS = 26
VOCAB = 100000
EMB = 32

def setup_inputs(seed: int = 0) -> dict:
    key = jax.random.key(seed)
    k1, k2, k3, k4 = jax.random.split(key, 4)
    dense = jax.random.normal(k1, (B, D_DENSE), dtype=jnp.float32)
    cats = jax.random.randint(k2, (B, N_CATS), 0, VOCAB, dtype=jnp.int32)
    # learned parameters: one embedding table per categorical field (all same size -> stacked)
    tables = jax.random.normal(k3, (N_CATS, VOCAB, EMB), dtype=jnp.float32) * 0.01
    in_dim = D_DENSE + N_CATS * EMB
    W = jax.random.normal(k4, (in_dim, 1), dtype=jnp.float32) * 0.02
    b = jnp.zeros((1,), dtype=jnp.float32)
    return {"dense": dense, "cats": cats, "tables": tables, "W": W, "b": b}

def reference(dense, cats, tables, W, b):
    # per-field embedding lookup: tables[i][cats[:, i]] for i in range(N_CATS)
    embs = jax.vmap(lambda t, c: jnp.take(t, c, axis=0), in_axes=(0, 1), out_axes=1)(tables, cats)  # [B, F, E]
    x = jnp.concatenate([dense, embs.reshape(dense.shape[0], -1)], axis=1)
    logit = x @ W + b
    return logit

if __name__ == "__main__":
    import jax
    _d = setup_inputs()
    print(jax.jit(kernel)(*tuple(_d.values())))

</pallas_src>

<mosaic_0001>
#map = affine_map<(d0, d1) -> (0, 0)>
#map1 = affine_map<(d0, d1) -> (0)>
module attributes {stable_mosaic.version = 14 : i64} {
  func.func @_sc_body(%arg0: i32, %arg1: i32, %arg2: memref<4096x104xi32, #tpu.memory_space<hbm>>, %arg3: memref<2662400xf32, #tpu.memory_space<hbm>>, %arg4: memref<16384xf32, #tpu.memory_space<hbm>>, %arg5: memref<128x104xi32, #tpu.memory_space<vmem>>, %arg6: memref<13312xf32, #tpu.memory_space<vmem>>, %arg7: memref<512xf32, #tpu.memory_space<vmem>>, %arg8: memref<!tpu.dma_semaphore, #tpu.memory_space<semaphore_mem>>) attributes {dimension_semantics = [#tpu.dimension_semantics<core_parallel>, #tpu.dimension_semantics<subcore_parallel>], iteration_bounds = array<i64: 2, 16>, scalar_prefetch = 0 : i64, scratch_operands = 4 : i64, tpu.core_type = #tpu.core_type<sc_vector_subcore>, window_params = [{transform_indices = #map}, {transform_indices = #map1}, {transform_indices = #map1}]} {
    %mul3A = arith.constant 2 : i32
    %mul3A_0 = arith.muli %arg1, %mul3A : i32
    %add3A = arith.addi %mul3A_0, %arg0 : i32
    %mul3A_1 = arith.constant 128 : i32
    %mul3A_2 = arith.muli %add3A, %mul3A_1 : i32
    "tpu.region"() ({
      %run_scoped3A = tpu.sem_alloc : memref<!tpu.dma_semaphore, #tpu.memory_space<semaphore_mem>>
      %dma_start3A = arith.constant 0 : i32
      %dma_start3A_22 = tpu.memref_slice %arg2[%mul3A_2, %dma_start3A] : memref<4096x104xi32, #tpu.memory_space<hbm>> -> memref<128x104xi32, #tpu.memory_space<hbm>>
      %dma_start3A_23 = arith.constant 0 : i32
      %dma_start3A_24 = tpu.memref_slice %arg2[%mul3A_2, %dma_start3A_23] : memref<4096x104xi32, #tpu.memory_space<hbm>> -> memref<128x104xi32, #tpu.memory_space<hbm>>
      tpu.enqueue_dma source(%dma_start3A_24 : memref<128x104xi32, #tpu.memory_space<hbm>>) target(%arg5 : memref<128x104xi32, #tpu.memory_space<vmem>>) target_semaphore(%run_scoped3A : memref<!tpu.dma_semaphore, #tpu.memory_space<semaphore_mem>>)
      %dma_wait3A = arith.constant 0 : i32
      %dma_wait3A_25 = tpu.memref_slice %arg2[%mul3A_2, %dma_wait3A] : memref<4096x104xi32, #tpu.memory_space<hbm>> -> memref<128x104xi32, #tpu.memory_space<hbm>>
      %dma_wait3A_26 = arith.constant 0 : i32
      %dma_wait3A_27 = tpu.memref_slice %arg2[%mul3A_2, %dma_wait3A_26] : memref<4096x104xi32, #tpu.memory_space<hbm>> -> memref<128x104xi32, #tpu.memory_space<hbm>>
      tpu.wait_dma2 semaphore(%run_scoped3A : memref<!tpu.dma_semaphore, #tpu.memory_space<semaphore_mem>>) src(%dma_wait3A_27 : memref<128x104xi32, #tpu.memory_space<hbm>>) dst(%arg5 : memref<128x104xi32, #tpu.memory_space<vmem>>)
      tpu.yield
    }) : () -> ()
    %scan3A = arith.constant 0 : i32
    %scan3A_3 = arith.constant 0 : i32
    %scan3A_4 = arith.constant 128 : i32
    %scan3A_5 = arith.addi %scan3A_3, %scan3A_4 : i32
    %scan3A_6 = arith.constant 1 : i32
    scf.for %scan3A_22 = %scan3A_3 to %scan3A_5 step %scan3A_6  : i32 {
      %mul3A_23 = arith.constant 104 : i32
      %mul3A_24 = arith.muli %scan3A_22, %mul3A_23 : i32
      %multiple_of3A = tpu.assume_multiple %mul3A_24, 8 : i32
      %dma_start3A = tpu.memref_slice %arg6[%multiple_of3A] : memref<13312xf32, #tpu.memory_space<vmem>> -> memref<104xf32, #tpu.memory_space<vmem>>
      %dma_start3A_25 = arith.constant 0 : i32
      %dma_start3A_26 = tpu.memref_slice %arg5[%scan3A_22, %dma_start3A_25] : memref<128x104xi32, #tpu.memory_space<vmem>> -> memref<1x104xi32, #tpu.memory_space<vmem>>
      %dma_start3A_27 = tpu.memref_squeeze %dma_start3A_26 : memref<1x104xi32, #tpu.memory_space<vmem>> -> memref<104xi32, #tpu.memory_space<vmem>>
      %dma_start3A_28 = arith.constant 0 : i32
      %dma_start3A_29 = tpu.memref_slice %arg3[%dma_start3A_28] : memref<2662400xf32, #tpu.memory_space<hbm>> -> memref<2662400xf32, #tpu.memory_space<hbm>>
      tpu.enqueue_indirect_dma source(%dma_start3A_29 : memref<2662400xf32, #tpu.memory_space<hbm>>) target(%dma_start3A : memref<104xf32, #tpu.memory_space<vmem>>) offsets(%dma_start3A_27 : memref<104xi32, #tpu.memory_space<vmem>>) semaphore(%arg8 : memref<!tpu.dma_semaphore, #tpu.memory_space<semaphore_mem>>)
    }
    %scan3A_7 = arith.constant 128 : i32
    %scan3A_8 = arith.constant 0 : i32
    %scan3A_9 = arith.constant 0 : i32
    %scan3A_10 = arith.constant 128 : i32
    %scan3A_11 = arith.addi %scan3A_9, %scan3A_10 : i32
    %scan3A_12 = arith.constant 1 : i32
    scf.for %scan3A_22 = %scan3A_9 to %scan3A_11 step %scan3A_12  : i32 {
      %dma_wait3A = arith.constant 0 : i32
      %dma_wait3A_23 = arith.constant 0 : i32
      %dma_wait3A_24 = tpu.memref_slice %arg6[%dma_wait3A_23] : memref<13312xf32, #tpu.memory_space<vmem>> -> memref<104xf32, #tpu.memory_space<vmem>>
      %dma_wait3A_25 = arith.constant 0 : i32
      %dma_wait3A_26 = tpu.memref_slice %arg5[%dma_wait3A, %dma_wait3A_25] : memref<128x104xi32, #tpu.memory_space<vmem>> -> memref<1x104xi32, #tpu.memory_space<vmem>>
      %dma_wait3A_27 = tpu.memref_squeeze %dma_wait3A_26 : memref<1x104xi32, #tpu.memory_space<vmem>> -> memref<104xi32, #tpu.memory_space<vmem>>
      %dma_wait3A_28 = arith.constant 0 : i32
      %dma_wait3A_29 = tpu.memref_slice %arg3[%dma_wait3A_28] : memref<2662400xf32, #tpu.memory_space<hbm>> -> memref<2662400xf32, #tpu.memory_space<hbm>>
      tpu.wait_indirect_dma semaphore(%arg8 : memref<!tpu.dma_semaphore, #tpu.memory_space<semaphore_mem>>) src(%dma_wait3A_29 : memref<2662400xf32, #tpu.memory_space<hbm>>) dst(%dma_wait3A_24 : memref<104xf32, #tpu.memory_space<vmem>>)
    }
    %scan3A_13 = arith.constant 128 : i32
    %scan3A_14 = arith.constant 0 : i32
    %scan3A_15 = arith.constant 0 : i32
    %scan3A_16 = arith.constant 32 : i32
    %scan3A_17 = arith.addi %scan3A_15, %scan3A_16 : i32
    %scan3A_18 = arith.constant 1 : i32
    scf.for %scan3A_22 = %scan3A_15 to %scan3A_17 step %scan3A_18  : i32 {
      %mul3A_23 = arith.constant 416 : i32
      %mul3A_24 = arith.muli %scan3A_22, %mul3A_23 : i32
      %multiple_of3A = tpu.assume_multiple %mul3A_24, 16 : i32
      %broadcast_in_dim3A = arith.constant 0.000000e+00 : f32
      %broadcast_in_dim3A_25 = vector.broadcast %broadcast_in_dim3A : f32 to vector<16xf32>
      %add3A_26 = arith.constant 0 : i32
      %add3A_27 = arith.addi %multiple_of3A, %add3A_26 : i32
      %get3A = arith.index_cast %add3A_27 : i32 to index
      %get3A_28 = tpu.vector_load %arg6[%get3A] {strides = array<i32>} : memref<13312xf32, #tpu.memory_space<vmem>>, vector<16xf32>,
      %add3A_29 = arith.addf %broadcast_in_dim3A_25, %get3A_28 : vector<16xf32>
      %add3A_30 = arith.constant 16 : i32
      %add3A_31 = arith.addi %multiple_of3A, %add3A_30 : i32
      %get3A_32 = arith.index_cast %add3A_31 : i32 to index
      %get3A_33 = tpu.vector_load %arg6[%get3A_32] {strides = array<i32>} : memref<13312xf32, #tpu.memory_space<vmem>>, vector<16xf32>,
      %add3A_34 = arith.addf %add3A_29, %get3A_33 : vector<16xf32>
      %add3A_35 = arith.constant 32 : i32
      %add3A_36 = arith.addi %multiple_of3A, %add3A_35 : i32
      %get3A_37 = arith.index_cast %add3A_36 : i32 to index
      %get3A_38 = tpu.vector_load %arg6[%get3A_37] {strides = array<i32>} : memref<13312xf32, #tpu.memory_space<vmem>>, vector<16xf32>,
      %add3A_39 = arith.addf %add3A_34, %get3A_38 : vector<16xf32>
      %add3A_40 = arith.constant 48 : i32
      %add3A_41 = arith.addi %multiple_of3A, %add3A_40 : i32
      %get3A_42 = arith.index_cast %add3A_41 : i32 to index
      %get3A_43 = tpu.vector_load %arg6[%get3A_42] {strides = array<i32>} : memref<13312xf32, #tpu.memory_space<vmem>>, vector<16xf32>,
      %add3A_44 = arith.addf %add3A_39, %get3A_43 : vector<16xf32>
      %add3A_45 = arith.constant 64 : i32
      %add3A_46 = arith.addi %multiple_of3A, %add3A_45 : i32
      %get3A_47 = arith.index_cast %add3A_46 : i32 to index
      %get3A_48 = tpu.vector_load %arg6[%get3A_47] {strides = array<i32>} : memref<13312xf32, #tpu.memory_space<vmem>>, vector<16xf32>,
      %add3A_49 = arith.addf %add3A_44, %get3A_48 : vector<16xf32>
      %add3A_50 = arith.constant 80 : i32
      %add3A_51 = arith.addi %multiple_of3A, %add3A_50 : i32
      %get3A_52 = arith.index_cast %add3A_51 : i32 to index
      %get3A_53 = tpu.vector_load %arg6[%get3A_52] {strides = array<i32>} : memref<13312xf32, #tpu.memory_space<vmem>>, vector<16xf32>,
      %add3A_54 = arith.addf %add3A_49, %get3A_53 : vector<16xf32>
      %add3A_55 = arith.constant 96 : i32
      %add3A_56 = arith.addi %multiple_of3A, %add3A_55 : i32
      %get3A_57 = arith.index_cast %add3A_56 : i32 to index
      %get3A_58 = tpu.vector_load %arg6[%get3A_57] {strides = array<i32>} : memref<13312xf32, #tpu.memory_space<vmem>>, vector<16xf32>,
      %add3A_59 = arith.addf %add3A_54, %get3A_58 : vector<16xf32>
      %add3A_60 = arith.constant 112 : i32
      %add3A_61 = arith.addi %multiple_of3A, %add3A_60 : i32
      %get3A_62 = arith.index_cast %add3A_61 : i32 to index
      %get3A_63 = tpu.vector_load %arg6[%get3A_62] {strides = array<i32>} : memref<13312xf32, #tpu.memory_space<vmem>>, vector<16xf32>,
      %add3A_64 = arith.addf %add3A_59, %get3A_63 : vector<16xf32>
      %add3A_65 = arith.constant 128 : i32
      %add3A_66 = arith.addi %multiple_of3A, %add3A_65 : i32
      %get3A_67 = arith.index_cast %add3A_66 : i32 to index
      %get3A_68 = tpu.vector_load %arg6[%get3A_67] {strides = array<i32>} : memref<13312xf32, #tpu.memory_space<vmem>>, vector<16xf32>,
      %add3A_69 = arith.addf %add3A_64, %get3A_68 : vector<16xf32>
      %add3A_70 = arith.constant 144 : i32
      %add3A_71 = arith.addi %multiple_of3A, %add3A_70 : i32
      %get3A_72 = arith.index_cast %add3A_71 : i32 to index
      %get3A_73 = tpu.vector_load %arg6[%get3A_72] {strides = array<i32>} : memref<13312xf32, #tpu.memory_space<vmem>>, vector<16xf32>,
      %add3A_74 = arith.addf %add3A_69, %get3A_73 : vector<16xf32>
      %add3A_75 = arith.constant 160 : i32
      %add3A_76 = arith.addi %multiple_of3A, %add3A_75 : i32
      %get3A_77 = arith.index_cast %add3A_76 : i32 to index
      %get3A_78 = tpu.vector_load %arg6[%get3A_77] {strides = array<i32>} : memref<13312xf32, #tpu.memory_space<vmem>>, vector<16xf32>,
      %add3A_79 = arith.addf %add3A_74, %get3A_78 : vector<16xf32>
      %add3A_80 = arith.constant 176 : i32
      %add3A_81 = arith.addi %multiple_of3A, %add3A_80 : i32
      %get3A_82 = arith.index_cast %add3A_81 : i32 to index
      %get3A_83 = tpu.vector_load %arg6[%get3A_82] {strides = array<i32>} : memref<13312xf32, #tpu.memory_space<vmem>>, vector<16xf32>,
      %add3A_84 = arith.addf %add3A_79, %get3A_83 : vector<16xf32>
      %add3A_85 = arith.constant 192 : i32
      %add3A_86 = arith.addi %multiple_of3A, %add3A_85 : i32
      %get3A_87 = arith.index_cast %add3A_86 : i32 to index
      %get3A_88 = tpu.vector_load %arg6[%get3A_87] {strides = array<i32>} : memref<13312xf32, #tpu.memory_space<vmem>>, vector<16xf32>,
      %add3A_89 = arith.addf %add3A_84, %get3A_88 : vector<16xf32>
      %add3A_90 = arith.constant 208 : i32
      %add3A_91 = arith.addi %multiple_of3A, %add3A_90 : i32
      %get3A_92 = arith.index_cast %add3A_91 : i32 to index
      %get3A_93 = tpu.vector_load %arg6[%get3A_92] {strides = array<i32>} : memref<13312xf32, #tpu.memory_space<vmem>>, vector<16xf32>,
      %add3A_94 = arith.addf %add3A_89, %get3A_93 : vector<16xf32>
      %add3A_95 = arith.constant 224 : i32
      %add3A_96 = arith.addi %multiple_of3A, %add3A_95 : i32
      %get3A_97 = arith.index_cast %add3A_96 : i32 to index
      %get3A_98 = tpu.vector_load %arg6[%get3A_97] {strides = array<i32>} : memref<13312xf32, #tpu.memory_space<vmem>>, vector<16xf32>,
      %add3A_99 = arith.addf %add3A_94, %get3A_98 : vector<16xf32>
      %add3A_100 = arith.constant 240 : i32
      %add3A_101 = arith.addi %multiple_of3A, %add3A_100 : i32
      %get3A_102 = arith.index_cast %add3A_101 : i32 to index
      %get3A_103 = tpu.vector_load %arg6[%get3A_102] {strides = array<i32>} : memref<13312xf32, #tpu.memory_space<vmem>>, vector<16xf32>,
      %add3A_104 = arith.addf %add3A_99, %get3A_103 : vector<16xf32>
      %add3A_105 = arith.constant 256 : i32
      %add3A_106 = arith.addi %multiple_of3A, %add3A_105 : i32
      %get3A_107 = arith.index_cast %add3A_106 : i32 to index
      %get3A_108 = tpu.vector_load %arg6[%get3A_107] {strides = array<i32>} : memref<13312xf32, #tpu.memory_space<vmem>>, vector<16xf32>,
      %add3A_109 = arith.addf %add3A_104, %get3A_108 : vector<16xf32>
      %add3A_110 = arith.constant 272 : i32
      %add3A_111 = arith.addi %multiple_of3A, %add3A_110 : i32
      %get3A_112 = arith.index_cast %add3A_111 : i32 to index
      %get3A_113 = tpu.vector_load %arg6[%get3A_112] {strides = array<i32>} : memref<13312xf32, #tpu.memory_space<vmem>>, vector<16xf32>,
      %add3A_114 = arith.addf %add3A_109, %get3A_113 : vector<16xf32>
      %add3A_115 = arith.constant 288 : i32
      %add3A_116 = arith.addi %multiple_of3A, %add3A_115 : i32
      %get3A_117 = arith.index_cast %add3A_116 : i32 to index
      %get3A_118 = tpu.vector_load %arg6[%get3A_117] {strides = array<i32>} : memref<13312xf32, #tpu.memory_space<vmem>>, vector<16xf32>,
      %add3A_119 = arith.addf %add3A_114, %get3A_118 : vector<16xf32>
      %add3A_120 = arith.constant 304 : i32
      %add3A_121 = arith.addi %multiple_of3A, %add3A_120 : i32
      %get3A_122 = arith.index_cast %add3A_121 : i32 to index
      %get3A_123 = tpu.vector_load %arg6[%get3A_122] {strides = array<i32>} : memref<13312xf32, #tpu.memory_space<vmem>>, vector<16xf32>,
      %add3A_124 = arith.addf %add3A_119, %get3A_123 : vector<16xf32>
      %add3A_125 = arith.constant 320 : i32
      %add3A_126 = arith.addi %multiple_of3A, %add3A_125 : i32
      %get3A_127 = arith.index_cast %add3A_126 : i32 to index
      %get3A_128 = tpu.vector_load %arg6[%get3A_127] {strides = array<i32>} : memref<13312xf32, #tpu.memory_space<vmem>>, vector<16xf32>,
      %add3A_129 = arith.addf %add3A_124, %get3A_128 : vector<16xf32>
      %add3A_130 = arith.constant 336 : i32
      %add3A_131 = arith.addi %multiple_of3A, %add3A_130 : i32
      %get3A_132 = arith.index_cast %add3A_131 : i32 to index
      %get3A_133 = tpu.vector_load %arg6[%get3A_132] {strides = array<i32>} : memref<13312xf32, #tpu.memory_space<vmem>>, vector<16xf32>,
      %add3A_134 = arith.addf %add3A_129, %get3A_133 : vector<16xf32>
      %add3A_135 = arith.constant 352 : i32
      %add3A_136 = arith.addi %multiple_of3A, %add3A_135 : i32
      %get3A_137 = arith.index_cast %add3A_136 : i32 to index
      %get3A_138 = tpu.vector_load %arg6[%get3A_137] {strides = array<i32>} : memref<13312xf32, #tpu.memory_space<vmem>>, vector<16xf32>,
      %add3A_139 = arith.addf %add3A_134, %get3A_138 : vector<16xf32>
      %add3A_140 = arith.constant 368 : i32
      %add3A_141 = arith.addi %multiple_of3A, %add3A_140 : i32
      %get3A_142 = arith.index_cast %add3A_141 : i32 to index
      %get3A_143 = tpu.vector_load %arg6[%get3A_142] {strides = array<i32>} : memref<13312xf32, #tpu.memory_space<vmem>>, vector<16xf32>,
      %add3A_144 = arith.addf %add3A_139, %get3A_143 : vector<16xf32>
      %add3A_145 = arith.constant 384 : i32
      %add3A_146 = arith.addi %multiple_of3A, %add3A_145 : i32
      %get3A_147 = arith.index_cast %add3A_146 : i32 to index
      %get3A_148 = tpu.vector_load %arg6[%get3A_147] {strides = array<i32>} : memref<13312xf32, #tpu.memory_space<vmem>>, vector<16xf32>,
      %add3A_149 = arith.addf %add3A_144, %get3A_148 : vector<16xf32>
      %add3A_150 = arith.constant 400 : i32
      %add3A_151 = arith.addi %multiple_of3A, %add3A_150 : i32
      %get3A_152 = arith.index_cast %add3A_151 : i32 to index
      %get3A_153 = tpu.vector_load %arg6[%get3A_152] {strides = array<i32>} : memref<13312xf32, #tpu.memory_space<vmem>>, vector<16xf32>,
      %add3A_154 = arith.addf %add3A_149, %get3A_153 : vector<16xf32>
      %mul3A_155 = arith.constant 16 : i32
      %mul3A_156 = arith.muli %scan3A_22, %mul3A_155 : i32
      %swap3A = arith.index_cast %mul3A_156 : i32 to index
      %swap3A_157 = tpu.vector_load %arg7[%swap3A] {strides = array<i32>} : memref<512xf32, #tpu.memory_space<vmem>>, vector<16xf32>,
      tpu.vector_store %arg7[%swap3A], %add3A_154 {strides = array<i32>} : memref<512xf32, #tpu.memory_space<vmem>>, vector<16xf32>,
    }
    %scan3A_19 = arith.constant 32 : i32
    %mul3A_20 = arith.constant 512 : i32
    %mul3A_21 = arith.muli %add3A, %mul3A_20 : i32
    "tpu.region"() ({
      %run_scoped3A = tpu.sem_alloc : memref<!tpu.dma_semaphore, #tpu.memory_space<semaphore_mem>>
      %dma_start3A = tpu.memref_slice %arg4[%mul3A_21] : memref<16384xf32, #tpu.memory_space<hbm>> -> memref<512xf32, #tpu.memory_space<hbm>>
      %dma_start3A_22 = tpu.memref_slice %arg4[%mul3A_21] : memref<16384xf32, #tpu.memory_space<hbm>> -> memref<512xf32, #tpu.memory_space<hbm>>
      tpu.enqueue_dma source(%arg7 : memref<512xf32, #tpu.memory_space<vmem>>) target(%dma_start3A_22 : memref<512xf32, #tpu.memory_space<hbm>>) target_semaphore(%run_scoped3A : memref<!tpu.dma_semaphore, #tpu.memory_space<semaphore_mem>>)
      %dma_wait3A = tpu.memref_slice %arg4[%mul3A_21] : memref<16384xf32, #tpu.memory_space<hbm>> -> memref<512xf32, #tpu.memory_space<hbm>>
      %dma_wait3A_23 = tpu.memref_slice %arg4[%mul3A_21] : memref<16384xf32, #tpu.memory_space<hbm>> -> memref<512xf32, #tpu.memory_space<hbm>>
      tpu.wait_dma2 semaphore(%run_scoped3A : memref<!tpu.dma_semaphore, #tpu.memory_space<semaphore_mem>>) src(%arg7 : memref<512xf32, #tpu.memory_space<vmem>>) dst(%dma_wait3A_23 : memref<512xf32, #tpu.memory_space<hbm>>)
      tpu.yield
    }) : () -> ()
    return
  }
}

module attributes {stable_mosaic.version = 14 : i64} {
  func.func @_tc_proj_body(%arg0: i32, %arg1: i32, %arg2: memref<1x32x51200xf32, #tpu.memory_space<vmem>>, %arg3: memref<26x32xf32, #tpu.memory_space<vmem>>, %arg4: memref<51200xf32, #tpu.memory_space<vmem>>) attributes {dimension_semantics = [#tpu.dimension_semantics<arbitrary>, #tpu.dimension_semantics<arbitrary>], iteration_bounds = array<i64: 26, 2>, scalar_prefetch = 0 : i64, scratch_operands = 0 : i64, tpu.core_type = #tpu.core_type<tc>, window_params = [{transform_indices = @transform_0, window_bounds = array<i64: 1, 32, 51200>}, {pipeline_mode = #tpu.pipeline_mode<synchronous>, transform_indices = @transform_1, window_bounds = array<i64: 26, 32>}, {transform_indices = @transform_2, window_bounds = array<i64: 51200>}]} {
    %get3A = arith.index_cast %arg0 : i32 to index
    %get3A_0 = arith.constant 0 : index
    %get3A_1 = vector.load %arg3[%get3A, %get3A_0] : memref<26x32xf32, #tpu.memory_space<vmem>>, vector<1x32xf32>
    %get3A_2 = vector.shape_cast %get3A_1 : vector<1x32xf32> to vector<32xf32>
    %broadcast_in_dim3A = vector.shape_cast %get3A_2 : vector<32xf32> to vector<1x32xf32>
    %get3A_3 = arith.constant 0 : index
    %get3A_4 = arith.constant 0 : index
    %get3A_5 = arith.constant 0 : index
    %get3A_6 = vector.load %arg2[%get3A_3, %get3A_4, %get3A_5] : memref<1x32x51200xf32, #tpu.memory_space<vmem>>, vector<1x32x51200xf32>
    %get3A_7 = vector.shape_cast %get3A_6 : vector<1x32x51200xf32> to vector<32x51200xf32>
    %dot_general3A = arith.constant dense<0.000000e+00> : vector<1x51200xf32>
    %dot_general3A_8 = tpu.matmul %broadcast_in_dim3A, %get3A_7, %dot_general3A {dimension_numbers = #tpu.dot_dimension_numbers<[1], [0], [0], [1], [0, 0, 1, 1], [], []>, transpose_lhs_hint = false} : vector<1x32xf32>, vector<32x51200xf32>, vector<1x51200xf32> -> vector<1x51200xf32>
    %squeeze3A = vector.shape_cast %dot_general3A_8 : vector<1x51200xf32> to vector<51200xf32>
    %swap3A = arith.constant 0 : index
    %swap3A_9 = vector.load %arg4[%swap3A] : memref<51200xf32, #tpu.memory_space<vmem>>, vector<51200xf32>
    tpu.vector_store %arg4[%swap3A], %squeeze3A {strides = array<i32>} : memref<51200xf32, #tpu.memory_space<vmem>>, vector<51200xf32>,
    return
  }
  func.func @transform_0(%arg0: i32, %arg1: i32) -> (i32, i32, i32) {
    %c0_i32 = arith.constant 0 : i32
    %c0_i32_0 = arith.constant 0 : i32
    return %arg0, %c0_i32, %arg1 : i32, i32, i32
  }
  func.func @transform_1(%arg0: i32, %arg1: i32) -> (i32, i32) {
    %c0_i32 = arith.constant 0 : i32
    %c0_i32_0 = arith.constant 0 : i32
    %c0_i32_1 = arith.constant 0 : i32
    return %c0_i32, %c0_i32_0 : i32, i32
  }
  func.func @transform_2(%arg0: i32, %arg1: i32) -> i32 {
    %mul3A = arith.constant 2 : i32
    %mul3A_0 = arith.muli %arg0, %mul3A : i32
    %add3A = arith.addi %mul3A_0, %arg1 : i32
    %c0_i32 = arith.constant 0 : i32
    return %add3A : i32
  }
}

module attributes {stable_mosaic.version = 14 : i64} {
  func.func @_tc_dense_body(%arg0: memref<16384x13xf32, #tpu.memory_space<vmem>>, %arg1: memref<13xf32, #tpu.memory_space<vmem>>, %arg2: memref<1xf32, #tpu.memory_space<vmem>>, %arg3: memref<16384xf32, #tpu.memory_space<vmem>>) attributes {dimension_semantics = [], scalar_prefetch = 0 : i64, scratch_operands = 0 : i64, tpu.core_type = #tpu.core_type<tc>} {
    %get3A = arith.constant 0 : index
    %get3A_0 = arith.constant 0 : index
    %get3A_1 = vector.load %arg0[%get3A, %get3A_0] : memref<16384x13xf32, #tpu.memory_space<vmem>>, vector<16384x13xf32>
    %get3A_2 = arith.constant 0 : index
    %get3A_3 = vector.load %arg1[%get3A_2] : memref<13xf32, #tpu.memory_space<vmem>>, vector<13xf32>
    %broadcast_in_dim3A = vector.shape_cast %get3A_3 : vector<13xf32> to vector<1x13xf32>
    %mul3A = vector.broadcast %broadcast_in_dim3A : vector<1x13xf32> to vector<16384x13xf32>
    %mul3A_4 = arith.mulf %get3A_1, %mul3A : vector<16384x13xf32>
    %reduce_sum3A = arith.constant dense<0.000000e+00> : vector<16384xf32>
    %reduce_sum3A_5 = vector.multi_reduction <add>, %mul3A_4, %reduce_sum3A [1] : vector<16384x13xf32> to vector<16384xf32>
    %get3A_6 = arith.constant 0 : index
    %get3A_7 = vector.load %arg2[%get3A_6] : memref<1xf32, #tpu.memory_space<vmem>>, vector<1xf32>
    %add3A = vector.broadcast %get3A_7 : vector<1xf32> to vector<16384xf32>
    %add3A_8 = arith.addf %reduce_sum3A_5, %add3A : vector<16384xf32>
    %swap3A = arith.constant 0 : index
    %swap3A_9 = vector.load %arg3[%swap3A] : memref<16384xf32, #tpu.memory_space<vmem>>, vector<16384xf32>
    tpu.vector_store %arg3[%swap3A], %add3A_8 {strides = array<i32>} : memref<16384xf32, #tpu.memory_space<vmem>>, vector<16384xf32>,
    return
  }
}

</mosaic_0001>

<sc_bundles>
// kernel: kernel.5.cloned.1.call-start
scs
__scs_entry_jumppad:
0x0: {  	(pc) =	sbr.rel $0x88, $3  }
0x1: {  	(tag) =	ssettag $0x0;
	lr =	simm.s32 $0x1  }
0x2: {  	[smem:$0x3F9C] =	sst lr;
	_ =	strace $0xD0000000  }
0x3: {  	_ = 	snop  }
0x4: {  	_ = 	snop  }
0x5: {  	_ = 	snop  }
0x6: {  	_ = 	snop  }
0x7: {  	_ = 	snop  }
__scs_overlays_trampoline_lowered:
0x8: {  	[smem:$0x3FAB] =	sst s0  }
0x9: {  	[smem:$0x3FAC] =	sst s1  }
0xa: {  	[smem:$0x3FAD] =	sst s2  }
0xb: {  	[smem:$0x3FAE] =	sst s3  }
0xc: {  	[smem:$0x3FAF] =	sst s4  }
0xd: {  	[smem:$0x3FB0] =	sst s5  }
0xe: {  	[smem:$0x3FB1] =	sst s6  }
0xf: {  	[smem:$0x3FB2] =	sst s7  }
0x10: {  	[smem:$0x3FB3] =	sst s8  }
0x11: {  	[smem:$0x3FB4] =	sst s9;
	s0 =	simm.s32 @!p0 $0x0  }
0x12: {  	s1 =	sld [smem:$0x3F9A];
	s0 =	simm.s32 @p0 $0x1  }
0x13: {  	[smem:$0x3FB5] =	sst s0;
	s0 =	simm.s32 @!p1 $0x0  }
0x14: {  	s2 =	sld [smem:$0x3F99];
	s0 =	simm.s32 @p1 $0x1  }
0x15: {  	[smem:$0x3FB6] =	sst s0;
	s0 =	simm.s32 @!p2 $0x0  }
0x16: {  	s3 =	sld [smem:$0x3FDB];
	s0 =	simm.s32 @p2 $0x1  }
0x17: {  	s4 =	simm.s32 $0x1BF5;
	[smem:$0x3FB8] =	sst s0  }
0x18: {  	s0 =	sld [smem:$0x3F9B];
	_ =	swait.ge [sflag:s4], $0x0  }
0x19: {  	s7 =	sld [smem:$0x3F9C]  }
0x1a: {  	s8 =	sadd.s32 $0xFFFFE003, lr  }
0x1b: {  	s9 =	sadd.s32 $0xFFFFFEF7, lr;
	s5 =	simm.s32 $0xFFFFFFFF;
	p2 =	slt.u32 s8, $0xFFFFF086  }
0x1c: {  	p1 =	slt.u32 s9, $0xF7A;
	s5 =	simm.s32 @!p2 $0x0  }
0x1d: {  	s5 =	simm.s32 @p1 $0x1;
	p0 =	seq.s32 s7, s2  }
0x1e: {  	s7 =	smul.u32 @!p0 $0xF7A, s2;
	p2 =	seq.s32 @!p0 s5, $0x0  }
0x1f: {  	s9 =	smul.u32 $0xF7A, s1;
	s8 =	simm.s32 @!p0 $0x1BF5;
	p2 =	por !p2, p0  }
0x20: {  	[sflag:s8] =	ssyncset.s32 @!p0 $0xFFFFF086;
	s6 =	sadd.s32 @!p0 s3, s7;
	s7 =	simm.s32 @!p0 $0x108  }
0x21: {  	s3 =	sadd.s32 s3, s9;
	s6 =	sadd.s32 @!p0 $0x88, s6;
	s7 =	simm.s32 @p2 $0x1082  }
0x22: {  	[simem:s7], [sflag:s8] =	dma.local @!p0 [hbm:s6], $0xF7A  }
0x23: {  	s9 =	sor.u32 $0xD0000000, s2;
	s6 =	simm.s32 $0x108;
	_ =	swait.ge @!p0 [sflag:s8], $0x0  }
0x24: {  	s3 =	sadd.s32 $0x88, s3;
	s6 =	simm.s32 @!p1 $0x1082;
	[sflag:s4] =	ssyncset.s32 $0xFFFFF086  }
0x25: {  	[simem:s6], [sflag:s4] =	dma.local [hbm:s3], $0xF7A  }
0x26: {  	[smem:$0x3F9C] =	sst s1;
	(tag) =	ssettag s2;
	_ =	strace s9  }
0x27: {  	s1 =	sld [smem:$0x3FAC]  }
0x28: {  	s2 =	sld [smem:$0x3FAD]  }
0x29: {  	s4 =	sld [smem:$0x3FAF]  }
0x2a: {  	p0 =	seq.s32 s5, $0x0;
	s5 =	sld [smem:$0x3FB0]  }
0x2b: {  	s6 =	sld [smem:$0x3FB1]  }
0x2c: {  	s7 =	sld [smem:$0x3FB2]  }
0x2d: {  	s3 =	simm.s32 $0x108;
	s8 =	sld [smem:$0x3FB3]  }
0x2e: {  	s3 =	simm.s32 @!p0 $0x1082;
	s9 =	sld [smem:$0x3FB4]  }
0x2f: {  	lr =	sadd.s32 s0, s3;
	s0 =	sld [smem:$0x3FAB]  }
0x30: {  	s3 =	sld [smem:$0x3FAE]  }
0x31: {  	[smem:$0x3FB7] =	sst s10  }
0x32: {  	s10 =	sld [smem:$0x3FB5];
	_ =	sdelay $0x3  }
0x33: {  	p0 =	seq.s32 s10, $0x1;
	s10 =	sld [smem:$0x3FB7];
	_ =	sdelay $0x3  }
0x34: {  	[smem:$0x3FB7] =	sst s10  }
0x35: {  	s10 =	sld [smem:$0x3FB6];
	_ =	sdelay $0x3  }
0x36: {  	p1 =	seq.s32 s10, $0x1;
	s10 =	sld [smem:$0x3FB7];
	_ =	sdelay $0x3  }
0x37: {  	[smem:$0x3FB7] =	sst s10  }
0x38: {  	s10 =	sld [smem:$0x3FB8]  }
0x39: {  	_ = 	snop;
	(pc) =	sbr.ind lr, $3  }
0x3a: {  	_ = 	snop  }
0x3b: {  	_ = 	snop  }
0x3c: {  	p2 =	seq.s32 s10, $0x1;
	s10 =	sld [smem:$0x3FB7]  }
0x3d: {  	_ =	shalt  }
0x3e: {  	_ =	shalt  }
0x3f: {  	_ =	shalt  }
0x40: {  	_ =	shalt  }
0x41: {  	_ =	shalt  }
0x42: {  	_ =	shalt  }
0x43: {  	_ =	shalt  }
0x44: {  	_ =	shalt  }
0x45: {  	_ =	shalt  }
0x46: {  	_ =	shalt  }
0x47: {  	_ =	shalt  }
0x48: {  	_ =	shalt  }
0x49: {  	_ =	shalt  }
0x4a: {  	_ =	shalt  }
0x4b: {  	_ =	shalt  }
0x4c: {  	_ =	shalt  }
0x4d: {  	_ =	shalt  }
0x4e: {  	_ =	shalt  }
0x4f: {  	_ =	shalt  }
0x50: {  	_ =	shalt  }
0x51: {  	_ =	shalt  }
0x52: {  	_ =	shalt  }
0x53: {  	_ =	shalt  }
0x54: {  	_ =	shalt  }
0x55: {  	_ =	shalt  }
0x56: {  	_ =	shalt  }
0x57: {  	_ =	shalt  }
0x58: {  	_ =	shalt  }
0x59: {  	_ =	shalt  }
0x5a: {  	_ =	shalt  }
0x5b: {  	_ =	shalt  }
0x5c: {  	_ =	shalt  }
0x5d: {  	_ =	shalt  }
0x5e: {  	_ =	shalt  }
0x5f: {  	_ =	shalt  }
0x60: {  	_ =	shalt  }
0x61: {  	_ =	shalt  }
0x62: {  	_ =	shalt  }
0x63: {  	_ =	shalt  }
0x64: {  	_ =	shalt  }
0x65: {  	_ =	shalt  }
0x66: {  	_ =	shalt  }
0x67: {  	_ =	shalt  }
0x68: {  	_ =	shalt  }
0x69: {  	_ =	shalt  }
0x6a: {  	_ =	shalt  }
0x6b: {  	_ =	shalt  }
0x6c: {  	_ =	shalt  }
0x6d: {  	_ =	shalt  }
0x6e: {  	_ =	shalt  }
0x6f: {  	_ =	shalt  }
0x70: {  	_ =	shalt  }
0x71: {  	_ =	shalt  }
0x72: {  	_ =	shalt  }
0x73: {  	_ =	shalt  }
0x74: {  	_ =	shalt  }
0x75: {  	_ =	shalt  }
0x76: {  	_ =	shalt  }
0x77: {  	_ =	shalt  }
0x78: {  	_ =	shalt  }
0x79: {  	_ =	shalt  }
0x7a: {  	_ =	shalt  }
0x7b: {  	_ =	shalt  }
0x7c: {  	_ =	shalt  }
0x7d: {  	_ =	shalt  }
0x7e: {  	_ =	shalt  }
0x7f: {  	_ =	shalt  }
0x80: {  	_ =	shalt  }
0x81: {  	_ =	shalt  }
0x82: {  	_ =	shalt  }
0x83: {  	_ =	shalt  }
0x84: {  	_ =	shalt  }
0x85: {  	_ =	shalt  }
0x86: {  	_ =	shalt  }
0x87: {  	_ =	shalt  }
.Lfunc_end0:
.L_simem_size_0:
called_computation_lowered:
.L_overlay_start_0:
0x88: {  	s2 =	sld [smem:$0x3FD9]  }
0x89: {  	s3 =	sld [smem:$0x3FFE];
	_ =	sdelay $0x1  }
0x8a: {  	s1 =	srdreg.scid  }
0x8b: {  	s0 =	sand.u32 $0x1, s1  }
0x8c: {  	s17 =	sshll.u32 s0, $0xA;
	s2 =	sadd.s32 s3, s2  }
0x8d: {  	s2 =	sadd.s32 s2, s17  }
0x8e: {  	[smem:$0x3FC3] =	sst s2  }
0x8f: {  	_ = 	snop  }
0x90: {  	s2 =	sld [smem:$0x3FD0];
	(tm) =	ssettm $0x1  }
0x91: {  	s18 =	sld [smem:$0x3FFB];
	_ =	sdelay $0x3  }
0x92: {  	_ =	strace s18  }
0x93: {  	s3 =	sld [smem:$0x3FFC];
	_ =	sdelay $0x3  }
0x94: {  	_ =	strace s3  }
0x95: {  	s3 =	sld [smem:$0x3FFD];
	_ =	sdelay $0x3  }
0x96: {  	_ =	strace s3  }
0x97: {  	_ =	strace $0x8FFFFFFF  }
0x98: {  	s19 =	sld [smem:$0x3FDB];
	_ =	sdelay $0x1  }
0x99: {  	s4 =	simm.s32 $_scs_section_size  }
0x9a: {  	s5 =	simm.s32 $_size__tile_overlayer_lowered;
	s6 =	simm.s32 $_tile_overlayer_lowered  }
0x9b: {  	s22 =	simm.s32 $0x1BFF;
	s21 =	sshll.u32 s6, $0x1;
	s3 =	sadd.s32 s4, s19  }
0x9c: {  	s7 =	simm.s32 $0x0;
	s20 =	sshll.u32 s5, $0x1;
	s5 =	sadd.s32 s21, s3  }
0x9d: {  	[timem:s7], [sflag:s22] =	dma.local [hbm:s5], s20  }
0x9e: {  	_ =	swait.ge [sflag:s22], s20  }
0x9f: {  	s4 =	ssub.s32 $0x0, s20;
	[sflag:s22] =	ssyncset.done $0x0  }
0xa0: {  	[sflag:s22] =	ssyncadd.s32 s4;
	_ =	sdelay $0x1  }
0xa1: {  	s23 =	simm.s32 $0x1B8B  }
0xa2: {  	_ =	swait.ge [sflag:s23], $0x1  }
0xa3: {  	[sflag:s23] =	ssyncset.done $0x0  }
0xa4: {  	s25 =	simm.s32 $0x1B8E;
	s24 =	sld [smem:$0x3FFE];
	[sflag:s23] =	ssyncadd.s32 $0xFFFFFFFF  }
0xa5: {  	s26 =	simm.s32 $execute0_lowered;
	[smem:$0x3FD2] =	sst s25  }
0xa6: {  	s5 =	sshll.u32 s26, $0x1;
	_ =	strace $0x80000046;
	[dreg:$0x1] =	wrdreg $0xFFFFFFFF  }
0xa7: {  	s28 =	simm.s32 $_size_execute0_lowered;
	s3 =	sadd.s32 s3, s5;
	[dreg:$0x0] =	wrdreg $0x0  }
0xa8: {  	s5 =	sshll.u32 s28, $0x1;
	[dreg:$0x2] =	wrdreg s3  }
0xa9: {  	[dreg:$0x3] =	wrdreg s5  }
0xaa: {  	[dreg:$0x4] =	wrdreg $0xC0  }
0xab: {  	_ =	task [dreg:s7], $0x5FFFF  }
0xac: {  	[dreg:$0x1] =	wrdreg $0xFFFFFFFF  }
0xad: {  	[dreg:$0x0] =	wrdreg $0x60  }
0xae: {  	[dreg:$0x2] =	wrdreg s24  }
0xaf: {  	[dreg:$0x3] =	wrdreg s2  }
0xb0: {  	[dreg:$0x4] =	wrdreg $0x9  }
0xb1: {  	_ =	task.clear_ibuf [dreg:s7], $0x5FFFF;
	_ =	strace $0x90000046  }
0xb2: {  	s29 =	simm.s32 $0x9;
	_ =	strace $0x80000048  }
0xb3: {  	_ =	swait.ge [sflag:s29], $0x1  }
0xb4: {  	[sflag:s29] =	ssyncadd.s32 $0xFFFFFFFF  }
0xb5: {  	_ =	strace $0x90000048  }
0xb6: {  	_ =	sfence  }
0xb7: {  	s30 =	sld [smem:$0x0];
	_ =	sdelay $0x2  }
0xb8: {  	s31 =	sshll.u32 s1, $0xD;
	s1 =	sshrl.u32 s1, $0x2  }
0xb9: {  	s3 =	sand.u32 $0x4000, s31;
	s1 =	sadd.s32 s1, s30  }
0xba: {  	s0 =	sor.u32 s3, s0;
	s1 =	sshll.u32 s1, $0x11  }
0xbb: {  	s0 =	sor.u32 s1, s0  }
0xbc: {  	s0 =	sadd.s32 $0x8F2B, s0  }
0xbd: {  	[sflag:s0] =	ssyncadd.remote.s32 $0x1  }
0xbe: {  	_ =	sfence.sel $0xFFFF  }
0xbf: {  	[dreg:$0x0] =	wrdreg $0xFFFFFFFF;
	(pc) =	sbr.abs _section_cstart, $3  }
0xc0: {  	[dreg:$0x1] =	wrdreg $0xFFFFFFFF  }
0xc1: {  	_ =	task.clear_ibuf [dreg:s7], $0x2FFFF;
	_ =	strace $0x9FFFFFFF  }
0xc2: {  	(tm) =	ssettm $0x7FFFFFFF  }
0xc3: {  	_ =	shalt  }
tec
execute0_lowered:
.L_overlay_start_1:
0x0: {  	(tag) =	ssettag $0x1  }
0x1: {  	s1 =	srdreg.scid;
	s3 =	rddreg [dreg:$0x0]  }
0x2: {  	s0 =	stileid.u32;
	s5 =	rddreg [dreg:$0x1];
	s2 =	simm.s32 $0x0  }
0x3: {  	s9 =	simm.s32 $0x1;
	s10 =	simm.s32 $0x6800;
	s11 =	simm.s32 $0x0  }
0x4: {  	s4 =	sand.u32 $0x1, s1;
	s31 =	sshll.u32 s0, $0x1;
	s1 =	rddreg [dreg:$0x2]  }
0x5: {  	[smem:$0x7FF] =	sst s2;
	s6 =	sor.u32 s4, s31;
	s4 =	ssub.s32 $0x2, s4  }
0x6: {  	s7 =	smul.u32 $0x680, s6;
	s8 =	sshrl.u32 s4, $0x1;
	s6 =	sshll.u32 s6, $0x6  }
0x7: {  	_ =	strace $0x80000047;
	s8 =	ssub.s32 s4, s8;
	s5 =	sadd.s32 s5, s6  }
0x8: {  	s7 =	sadd.s32 s7, s3;
	s3 =	sadd.s32 $0xD600, s3;
	s6 =	smax.u32 s8, $0x1  }
0x9: {  	s8 =	simm.s32 $0x68;
	s4 =	sadd.s32 $0x600, s7;
	s7 =	simm.s32 $0x2  }
.LBB2_1:
0xa: {  	[tilespmem:s2], [sflag:$0x2] =	stream.linear.gather [hbm4b:s4+s2], $0x3400, $0x38;
	[tilespmem:$0x6A00] =	vst v63  }
0xb: {  	_ =	swait.ge [sflag:s7], $0x3400  }
0xc: {  	[sflag:s7] =	ssyncset.done $0x0  }
0xd: {  	s12 =	simm.s32 $0x0;
	[sflag:s7] =	ssyncadd.s32 $0xFFFFCC00  }
.LBB2_2:
0xe: {  	p0 =	sne.s32 s12, $0xCE60  }
.Ltmp0:
0xf: {  	_ = 	snop;
	(pc) =	sbr.rel @p0 .LBB2_2-.Ltmp0, $4  }
0x10: {  	_ = 	snop  }
0x11: {  	s13 =	sshra.s32 s12, $0x2  }
0x12: {  	s12 =	sadd.s32 $0x1A0, s12;
	s14 =	sadd.s32 $0x3400, s13  }
0x13: {  	[tilespmem:s14], [sflag:$0x1] =	stream.indirect.gather [hbm4b:s3+s8], $0x1, s13, s8, $0xb8;
	[tilespmem:$0x6A00] =	vst v63  }
0x14: {  	s12 =	simm.s32 $0x80  }
.LBB2_4:
0x15: {  	p0 =	sne.s32 s12, $0x1  }
.Ltmp1:
0x16: {  	_ = 	snop;
	(pc) =	sbr.rel @p0 .LBB2_4-.Ltmp1, $4  }
0x17: {  	_ = 	snop  }
0x18: {  	_ =	swait.ge [sflag:s9], $0x68  }
0x19: {  	[sflag:s9] =	ssyncset.done $0x0  }
0x1a: {  	s12 =	sadd.s32 $0xFFFFFFFF, s12;
	[sflag:s9] =	ssyncadd.s32 $0xFFFFFF98  }
0x1b: {  	s13 =	simm.s32 $0x34D0  }
0x1c: {  	s12 =	simm.s32 $0x0;
	s14 =	simm.s32 $0x40;
	v0 =	vld [tilespmem:s13+$0xFFFFFF30]  }
.LBB2_6:
0x1d: {  	p0 =	sne.s32 s14, $0x7C0  }
0x1e: {  	v1 =	vld [tilespmem:s13+$0xFFFFFF40];
	_ =	sdelay $0x1  }
0x1f: {  	v2 =	vld [tilespmem:s13+$0xFFFFFF50]  }
0x20: {  	v0 =	vadd.f32 $0.0e+00, v0  }
0x21: {  	v3 =	vld [tilespmem:s13+$0xFFFFFF60]  }
0x22: {  	v0 =	vadd.f32 v1, v0  }
0x23: {  	v1 =	vld [tilespmem:s13+$0xFFFFFF70]  }
0x24: {  	v0 =	vadd.f32 v2, v0  }
0x25: {  	v2 =	vld [tilespmem:s13+$0xFFFFFF80]  }
0x26: {  	v0 =	vadd.f32 v3, v0  }
0x27: {  	v3 =	vld [tilespmem:s13+$0xFFFFFF90]  }
0x28: {  	v0 =	vadd.f32 v1, v0  }
0x29: {  	v1 =	vld [tilespmem:s13+$0xFFFFFFA0]  }
0x2a: {  	v0 =	vadd.f32 v2, v0  }
0x2b: {  	v2 =	vld [tilespmem:s13+$0xFFFFFFB0]  }
0x2c: {  	v0 =	vadd.f32 v3, v0  }
0x2d: {  	v3 =	vld [tilespmem:s13+$0xFFFFFFC0]  }
0x2e: {  	v0 =	vadd.f32 v1, v0  }
0x2f: {  	v1 =	vld [tilespmem:s13+$0xFFFFFFD0]  }
0x30: {  	v0 =	vadd.f32 v2, v0  }
0x31: {  	v2 =	vld [tilespmem:s13+$0xFFFFFFE0]  }
0x32: {  	v0 =	vadd.f32 v3, v0  }
0x33: {  	v3 =	vld [tilespmem:s13+$0xFFFFFFF0]  }
0x34: {  	v0 =	vadd.f32 v1, v0  }
0x35: {  	v1 =	vld [tilespmem:s13+$0x0]  }
0x36: {  	v0 =	vadd.f32 v2, v0  }
0x37: {  	v2 =	vld [tilespmem:s13+$0x10]  }
0x38: {  	v0 =	vadd.f32 v3, v0  }
0x39: {  	v3 =	vld [tilespmem:s13+$0x20]  }
0x3a: {  	v0 =	vadd.f32 v1, v0  }
0x3b: {  	v1 =	vld [tilespmem:s13+$0x30]  }
0x3c: {  	v0 =	vadd.f32 v2, v0  }
0x3d: {  	v2 =	vld [tilespmem:s13+$0x40]  }
0x3e: {  	v0 =	vadd.f32 v3, v0  }
0x3f: {  	v3 =	vld [tilespmem:s13+$0x50]  }
0x40: {  	v0 =	vadd.f32 v1, v0  }
0x41: {  	v1 =	vld [tilespmem:s13+$0x60]  }
0x42: {  	v0 =	vadd.f32 v2, v0  }
0x43: {  	v2 =	vld [tilespmem:s13+$0x70]  }
0x44: {  	v0 =	vadd.f32 v3, v0  }
0x45: {  	v3 =	vld [tilespmem:s13+$0x80]  }
0x46: {  	v0 =	vadd.f32 v1, v0  }
0x47: {  	v1 =	vld [tilespmem:s13+$0x90]  }
0x48: {  	v0 =	vadd.f32 v2, v0  }
0x49: {  	v2 =	vld [tilespmem:s13+$0xA0]  }
0x4a: {  	v0 =	vadd.f32 v3, v0  }
0x4b: {  	v3 =	vld [tilespmem:s13+$0xB0]  }
0x4c: {  	v0 =	vadd.f32 v1, v0  }
0x4d: {  	v1 =	vld [tilespmem:s13+$0xC0]  }
0x4e: {  	v0 =	vadd.f32 v2, v0;
	_ =	sdelay $0x1  }
0x4f: {  	v0 =	vadd.f32 v3, v0  }
.Ltmp2:
0x50: {  	(pc) =	sbr.rel @p0 .LBB2_6-.Ltmp2, $4  }
0x51: {  	v0 =	vadd.f32 v1, v0  }
0x52: {  	s15 =	sshra.s32 s12, $0x2;
	s12 =	smov.u32 s14  }
0x53: {  	s13 =	sadd.s32 $0x1A0, s13;
	[tilespmem:s15+$0x6800] =	vst v0  }
0x54: {  	s14 =	sadd.s32 $0x40, s14;
	v0 =	vld [tilespmem:s13+$0xFFFFFF30]  }
0x55: {  	_ = 	snop  }
0x56: {  	v1 =	vld [tilespmem:s13+$0xFFFFFF40];
	_ =	sdelay $0x1  }
0x57: {  	v2 =	vld [tilespmem:s13+$0xFFFFFF50]  }
0x58: {  	v0 =	vadd.f32 $0.0e+00, v0  }
0x59: {  	v3 =	vld [tilespmem:s13+$0xFFFFFF60]  }
0x5a: {  	v0 =	vadd.f32 v1, v0  }
0x5b: {  	v42 =	vld [tilespmem:s13+$0xFFFFFF70]  }
0x5c: {  	v0 =	vadd.f32 v2, v0  }
0x5d: {  	v43 =	vld [tilespmem:s13+$0xFFFFFF80]  }
0x5e: {  	v0 =	vadd.f32 v3, v0  }
0x5f: {  	v44 =	vld [tilespmem:s13+$0xFFFFFF90]  }
0x60: {  	v0 =	vadd.f32 v42, v0  }
0x61: {  	v45 =	vld [tilespmem:s13+$0xFFFFFFA0]  }
0x62: {  	v0 =	vadd.f32 v43, v0  }
0x63: {  	v46 =	vld [tilespmem:s13+$0xFFFFFFB0]  }
0x64: {  	v0 =	vadd.f32 v44, v0  }
0x65: {  	v47 =	vld [tilespmem:s13+$0xFFFFFFC0]  }
0x66: {  	v0 =	vadd.f32 v45, v0  }
0x67: {  	v48 =	vld [tilespmem:s13+$0xFFFFFFD0]  }
0x68: {  	v0 =	vadd.f32 v46, v0  }
0x69: {  	v49 =	vld [tilespmem:s13+$0xFFFFFFE0]  }
0x6a: {  	v0 =	vadd.f32 v47, v0  }
0x6b: {  	v50 =	vld [tilespmem:s13+$0xFFFFFFF0]  }
0x6c: {  	v0 =	vadd.f32 v48, v0  }
0x6d: {  	v51 =	vld [tilespmem:s13+$0x0]  }
0x6e: {  	v0 =	vadd.f32 v49, v0  }
0x6f: {  	v52 =	vld [tilespmem:s13+$0x10]  }
0x70: {  	v0 =	vadd.f32 v50, v0  }
0x71: {  	v53 =	vld [tilespmem:s13+$0x20]  }
0x72: {  	v0 =	vadd.f32 v51, v0  }
0x73: {  	v54 =	vld [tilespmem:s13+$0x30]  }
0x74: {  	v0 =	vadd.f32 v52, v0  }
0x75: {  	v55 =	vld [tilespmem:s13+$0x40]  }
0x76: {  	v0 =	vadd.f32 v53, v0  }
0x77: {  	v56 =	vld [tilespmem:s13+$0x50]  }
0x78: {  	v0 =	vadd.f32 v54, v0  }
0x79: {  	v57 =	vld [tilespmem:s13+$0x60]  }
0x7a: {  	v0 =	vadd.f32 v55, v0  }
0x7b: {  	v58 =	vld [tilespmem:s13+$0x70]  }
0x7c: {  	v0 =	vadd.f32 v56, v0  }
0x7d: {  	v59 =	vld [tilespmem:s13+$0x80]  }
0x7e: {  	v0 =	vadd.f32 v57, v0  }
0x7f: {  	v60 =	vld [tilespmem:s13+$0x90]  }
0x80: {  	v0 =	vadd.f32 v58, v0  }
0x81: {  	v61 =	vld [tilespmem:s13+$0xA0]  }
0x82: {  	v0 =	vadd.f32 v59, v0  }
0x83: {  	v62 =	vld [tilespmem:s13+$0xB0]  }
0x84: {  	v0 =	vadd.f32 v60, v0  }
0x85: {  	v63 =	vld [tilespmem:s13+$0xC0]  }
0x86: {  	v0 =	vadd.f32 v61, v0;
	_ =	sdelay $0x1  }
0x87: {  	v0 =	vadd.f32 v62, v0;
	_ =	sdelay $0x1  }
0x88: {  	s11 =	sadd.s32 $0x1, s11;
	v0 =	vadd.f32 v63, v0  }
0x89: {  	s12 =	sshra.s32 s12, $0x2;
	p0 =	sne.s32 s11, s6  }
.Ltmp3:
0x8a: {  	[tilespmem:s12+$0x6800] =	vst v0;
	(pc) =	sbr.rel @p0 .LBB2_1-.Ltmp3, $4  }
0x8b: {  	[hbm4b:s5+s2] =	stream.linear.scatter [tilespmem:s10], [sflag:$0x2], $0x200, $0x38;
	[tilespmem:$0x6A00] =	vst v63  }
0x8c: {  	_ =	swait.ge [sflag:s7], $0x200  }
0x8d: {  	[sflag:s7] =	ssyncset.done $0x0  }
0x8e: {  	[sflag:s7] =	ssyncadd.s32 $0xFFFFFE00  }
0x8f: {  	_ =	sfence.sel $0x180000  }
0x90: {  	[bflag:$0x0] =	sbarrier.arrive $0xFFFF  }
0x91: {  	p0 =	sne.s32 s0, $0x0;
	_ =	strace $0x90000047  }
0x92: {  	s0 =	sadd.s32 @!p0 $0x100000, s1;
	[bflag:$0x2] =	sbarrier.arrive $0xFFFF  }
0x93: {  	[sflag:s0] =	ssyncadd.tile.s32 @!p0 $0x1;
	_ =	shalt  }
.Lfunc_end2:
_tile_overlayer_lowered:
.L_overlay_start_2:
0x94: {  	(tag) =	ssettag $0x2  }
0x95: {  	s0 =	rddreg [dreg:$0x0];
	s2 =	stileid.u32  }
0x96: {  	s1 =	rddreg [dreg:$0x1];
	p0 =	sne.s32 s2, $0x0  }
0x97: {  	s3 =	rddreg [dreg:$0x2];
	[bflag:$0x3] =	sbarrier.arrive $0xFFFF;
	s2 =	simm.s32 @!p0 $0x1C02  }
0x98: {  	[timem:s3], [sflag:s2] =	dma.local @!p0 [hbm:s0], s1  }
0x99: {  	s0 =	simm.s32 @!p0 $0x2  }
0x9a: {  	_ =	swait.ge @!p0 [sflag:s0], s1  }
0x9b: {  	s1 =	ssub.s32 @!p0 $0x0, s1;
	[sflag:s0] =	ssyncset.done @!p0 $0x0  }
0x9c: {  	[sflag:s0] =	ssyncadd.s32 @!p0 s1  }
0x9d: {  	[bflag:$0x3] =	sbarrier.arrive $0xFFFF  }
0x9e: {  	_ =	shalt  }

</sc_bundles>
